<compile_context>
chip_gen: v7x
topology: tpu7x:2x2x1
jax: 0.10.2.dev20260603
libtpu: 0.0.44.dev20260713+nightly
codegen_flags: <defaults>
</compile_context>

<pallas_src>
import functools

import jax
import jax.numpy as jnp
from jax import lax
from jax.experimental import pallas as pl
from jax.experimental.pallas import tpu as pltpu
from jax.experimental.pallas import tpu_sc as plsc

N = 16384
NUM_SUBCORES = 16
SAMPLES_PER_TILE = N // NUM_SUBCORES
FLAT_PER_TILE = SAMPLES_PER_TILE * 2
UNROLL = 8
VECS_PER_TILE = FLAT_PER_TILE // 16


def _center_loss_body(feature_hbm, label_hbm, table_hbm, out_hbm,
                      f_vmem, lab_vmem, tbl_vmem, acc_vmem,
                      shared, core_vmem, out_vmem, sem):
    sid = lax.axis_index("s")

    cp_f = pltpu.make_async_copy(
        feature_hbm.at[pl.ds(sid * FLAT_PER_TILE, FLAT_PER_TILE)],
        f_vmem, sem)
    cp_l = pltpu.make_async_copy(
        label_hbm.at[pl.ds(sid * SAMPLES_PER_TILE, SAMPLES_PER_TILE)],
        lab_vmem, sem)
    cp_t = pltpu.make_async_copy(table_hbm, tbl_vmem, sem)
    cp_f.start()
    cp_l.start()
    cp_t.start()
    cp_f.wait()
    cp_l.wait()
    cp_t.wait()

    lane = lax.iota(jnp.int32, 16)
    half_lane = lax.shift_right_logical(lane, 1)
    lane_bit = lane & 1

    @plsc.parallel_loop(0, VECS_PER_TILE, carry=tuple(
        jnp.zeros((16,), jnp.float32) for _ in range(UNROLL)), unroll=UNROLL)
    def accs(j, accs_in):
        b = j * 16
        f = f_vmem[pl.ds(b, 16)]
        lab = plsc.load_gather(lab_vmem, [j * 8 + half_lane])
        cval = plsc.load_gather(tbl_vmem, [lab * 2 + lane_bit])
        d = f - cval
        return accs_in[1:] + (accs_in[0] + d * d,)

    acc = accs[0]
    for a in accs[1:]:
        acc = acc + a

    acc_vmem[...] = acc
    pltpu.sync_copy(acc_vmem, shared.at[pl.ds(sid * 16, 16)])
    plsc.subcore_barrier()

    @pl.when(sid == 0)
    def _():
        pltpu.sync_copy(shared, core_vmem)
        tot = jnp.zeros((16,), jnp.float32)
        for i in range(NUM_SUBCORES):
            tot = tot + core_vmem[pl.ds(i * 16, 16)]
        s = jnp.sum(tot) * (1.0 / N)
        out_vmem[...] = jnp.full((16,), s, jnp.float32)
        pltpu.sync_copy(out_vmem.at[pl.ds(0, 1)], out_hbm)


@jax.jit
def _center_loss(feature_flat, label_i32, table_flat):
    mesh = plsc.VectorSubcoreMesh(core_axis_name="c", subcore_axis_name="s",
                                  num_cores=1)
    run = functools.partial(
        pl.kernel,
        mesh=mesh,
        compiler_params=pltpu.CompilerParams(needs_layout_passes=False),
        out_type=jax.ShapeDtypeStruct((1,), jnp.float32),
        scratch_types=[
            pltpu.VMEM((FLAT_PER_TILE,), jnp.float32),
            pltpu.VMEM((SAMPLES_PER_TILE,), jnp.int32),
            pltpu.VMEM((20,), jnp.float32),
            pltpu.VMEM((16,), jnp.float32),
            pltpu.VMEM_SHARED((NUM_SUBCORES * 16,), jnp.float32),
            pltpu.VMEM((NUM_SUBCORES * 16,), jnp.float32),
            pltpu.VMEM((16,), jnp.float32),
            pltpu.SemaphoreType.DMA,
        ],
    )(_center_loss_body)
    out = run(feature_flat, label_i32, table_flat)
    return out.reshape(())


def kernel(feature, label, embedding_weight):
    feature_flat = feature.reshape(-1)
    label_i32 = label.astype(jnp.int32)
    table_flat = embedding_weight.reshape(-1)
    return _center_loss(feature_flat, label_i32, table_flat)

# --- scband reference (transcript-rebuilt; emitter-appended) ---
"""Pipeline reference for scband-center-loss-43989055045763 (READ-ONLY COPY).

The authoritative reference and input builder live on the scoring server;
editing this copy changes nothing except your own understanding.
"""

import jax, jax.numpy as jnp
import numpy as np

def setup_inputs(seed: int = 0) -> dict:
    key = jax.random.key(seed)
    k1, k2, k3 = jax.random.split(key, 3)
    feature = jax.random.normal(k1, (16384, 2), dtype=jnp.float32)
    label = jax.random.randint(k2, (16384,), 0, 10, dtype=jnp.int64 if jax.config.jax_enable_x64 else jnp.int32)
    # learned parameter: embedding table per nn.Embedding(10, 2)
    embedding_weight = jax.random.normal(k3, (10, 2), dtype=jnp.float32)
    return {"feature": feature, "label": label, "embedding_weight": embedding_weight}

def reference(feature, label, embedding_weight):
    # center = self.embedding(label)
    center = jnp.take(embedding_weight, label, axis=0)
    # center_loss = torch.pow(feature - center, 2).sum(1).mean()
    center_loss = jnp.mean(jnp.sum(jnp.square(feature - center), axis=1))
    return center_loss

if __name__ == "__main__":
    import jax
    _d = setup_inputs()
    print(jax.jit(kernel)(*tuple(_d.values())))

</pallas_src>

<mosaic_0001>
#map = affine_map<(d0, d1) -> (0)>
module attributes {stable_mosaic.version = 14 : i64} {
  func.func @_center_loss_body(%arg0: i32, %arg1: i32, %arg2: memref<32768xf32, #tpu.memory_space<hbm>>, %arg3: memref<16384xi32, #tpu.memory_space<hbm>>, %arg4: memref<20xf32, #tpu.memory_space<hbm>>, %arg5: memref<1xf32, #tpu.memory_space<hbm>>, %arg6: memref<2048xf32, #tpu.memory_space<vmem>>, %arg7: memref<1024xi32, #tpu.memory_space<vmem>>, %arg8: memref<20xf32, #tpu.memory_space<vmem>>, %arg9: memref<16xf32, #tpu.memory_space<vmem>>, %arg10: memref<256xf32, #tpu.memory_space<vmem_shared>>, %arg11: memref<256xf32, #tpu.memory_space<vmem>>, %arg12: memref<16xf32, #tpu.memory_space<vmem>>, %arg13: memref<!tpu.dma_semaphore, #tpu.memory_space<semaphore_mem>>) attributes {dimension_semantics = [#tpu.dimension_semantics<core_parallel>, #tpu.dimension_semantics<subcore_parallel>], iteration_bounds = array<i64: 1, 16>, scalar_prefetch = 0 : i64, scratch_operands = 8 : i64, tpu.core_type = #tpu.core_type<sc_vector_subcore>, window_params = [{transform_indices = #map}, {transform_indices = #map}, {transform_indices = #map}, {transform_indices = #map}]} {
    %mul3A = arith.constant 2048 : i32
    %mul3A_0 = arith.muli %arg1, %mul3A : i32
    %mul3A_1 = arith.constant 1024 : i32
    %mul3A_2 = arith.muli %arg1, %mul3A_1 : i32
    %dma_start3A = tpu.memref_slice %arg2[%mul3A_0] : memref<32768xf32, #tpu.memory_space<hbm>> -> memref<2048xf32, #tpu.memory_space<hbm>>
    %dma_start3A_3 = tpu.memref_slice %arg2[%mul3A_0] : memref<32768xf32, #tpu.memory_space<hbm>> -> memref<2048xf32, #tpu.memory_space<hbm>>
    tpu.enqueue_dma source(%dma_start3A_3 : memref<2048xf32, #tpu.memory_space<hbm>>) target(%arg6 : memref<2048xf32, #tpu.memory_space<vmem>>) target_semaphore(%arg13 : memref<!tpu.dma_semaphore, #tpu.memory_space<semaphore_mem>>)
    %dma_start3A_4 = tpu.memref_slice %arg3[%mul3A_2] : memref<16384xi32, #tpu.memory_space<hbm>> -> memref<1024xi32, #tpu.memory_space<hbm>>
    %dma_start3A_5 = tpu.memref_slice %arg3[%mul3A_2] : memref<16384xi32, #tpu.memory_space<hbm>> -> memref<1024xi32, #tpu.memory_space<hbm>>
    tpu.enqueue_dma source(%dma_start3A_5 : memref<1024xi32, #tpu.memory_space<hbm>>) target(%arg7 : memref<1024xi32, #tpu.memory_space<vmem>>) target_semaphore(%arg13 : memref<!tpu.dma_semaphore, #tpu.memory_space<semaphore_mem>>)
    tpu.enqueue_dma source(%arg4 : memref<20xf32, #tpu.memory_space<hbm>>) target(%arg8 : memref<20xf32, #tpu.memory_space<vmem>>) target_semaphore(%arg13 : memref<!tpu.dma_semaphore, #tpu.memory_space<semaphore_mem>>)
    %dma_wait3A = tpu.memref_slice %arg2[%mul3A_0] : memref<32768xf32, #tpu.memory_space<hbm>> -> memref<2048xf32, #tpu.memory_space<hbm>>
    %dma_wait3A_6 = tpu.memref_slice %arg2[%mul3A_0] : memref<32768xf32, #tpu.memory_space<hbm>> -> memref<2048xf32, #tpu.memory_space<hbm>>
    tpu.wait_dma2 semaphore(%arg13 : memref<!tpu.dma_semaphore, #tpu.memory_space<semaphore_mem>>) src(%dma_wait3A_6 : memref<2048xf32, #tpu.memory_space<hbm>>) dst(%arg6 : memref<2048xf32, #tpu.memory_space<vmem>>)
    %dma_wait3A_7 = tpu.memref_slice %arg3[%mul3A_2] : memref<16384xi32, #tpu.memory_space<hbm>> -> memref<1024xi32, #tpu.memory_space<hbm>>
    %dma_wait3A_8 = tpu.memref_slice %arg3[%mul3A_2] : memref<16384xi32, #tpu.memory_space<hbm>> -> memref<1024xi32, #tpu.memory_space<hbm>>
    tpu.wait_dma2 semaphore(%arg13 : memref<!tpu.dma_semaphore, #tpu.memory_space<semaphore_mem>>) src(%dma_wait3A_8 : memref<1024xi32, #tpu.memory_space<hbm>>) dst(%arg7 : memref<1024xi32, #tpu.memory_space<vmem>>)
    tpu.wait_dma2 semaphore(%arg13 : memref<!tpu.dma_semaphore, #tpu.memory_space<semaphore_mem>>) src(%arg4 : memref<20xf32, #tpu.memory_space<hbm>>) dst(%arg8 : memref<20xf32, #tpu.memory_space<vmem>>)
    %iota3A = tpu.iota {dimensions = array<i32: 0>} : vector<16xi32>
    %shift_right_logical3A = arith.constant 1 : i32
    %shift_right_logical3A_9 = vector.broadcast %shift_right_logical3A : i32 to vector<16xi32>
    %shift_right_logical3A_10 = arith.shrui %iota3A, %shift_right_logical3A_9 : vector<16xi32>
    %and3A = arith.constant 1 : i32
    %and3A_11 = vector.broadcast %and3A : i32 to vector<16xi32>
    %and3A_12 = arith.andi %iota3A, %and3A_11 : vector<16xi32>
    %broadcast_in_dim3A = arith.constant 0.000000e+00 : f32
    %broadcast_in_dim3A_13 = vector.broadcast %broadcast_in_dim3A : f32 to vector<16xf32>
    %broadcast_in_dim3A_14 = arith.constant 0.000000e+00 : f32
    %broadcast_in_dim3A_15 = vector.broadcast %broadcast_in_dim3A_14 : f32 to vector<16xf32>
    %broadcast_in_dim3A_16 = arith.constant 0.000000e+00 : f32
    %broadcast_in_dim3A_17 = vector.broadcast %broadcast_in_dim3A_16 : f32 to vector<16xf32>
    %broadcast_in_dim3A_18 = arith.constant 0.000000e+00 : f32
    %broadcast_in_dim3A_19 = vector.broadcast %broadcast_in_dim3A_18 : f32 to vector<16xf32>
    %broadcast_in_dim3A_20 = arith.constant 0.000000e+00 : f32
    %broadcast_in_dim3A_21 = vector.broadcast %broadcast_in_dim3A_20 : f32 to vector<16xf32>
    %broadcast_in_dim3A_22 = arith.constant 0.000000e+00 : f32
    %broadcast_in_dim3A_23 = vector.broadcast %broadcast_in_dim3A_22 : f32 to vector<16xf32>
    %broadcast_in_dim3A_24 = arith.constant 0.000000e+00 : f32
    %broadcast_in_dim3A_25 = vector.broadcast %broadcast_in_dim3A_24 : f32 to vector<16xf32>
    %broadcast_in_dim3A_26 = arith.constant 0.000000e+00 : f32
    %broadcast_in_dim3A_27 = vector.broadcast %broadcast_in_dim3A_26 : f32 to vector<16xf32>
    %parallel_loop3A = arith.constant 0 : i32
    %parallel_loop3A_28 = arith.constant 128 : i32
    %parallel_loop3A_29 = arith.constant 1 : i32
    %parallel_loop3A_30:8 = scf.for %parallel_loop3A_42 = %parallel_loop3A to %parallel_loop3A_28 step %parallel_loop3A_29 iter_args(%parallel_loop3A_43 = %broadcast_in_dim3A_13, %parallel_loop3A_44 = %broadcast_in_dim3A_15, %parallel_loop3A_45 = %broadcast_in_dim3A_17, %parallel_loop3A_46 = %broadcast_in_dim3A_19, %parallel_loop3A_47 = %broadcast_in_dim3A_21, %parallel_loop3A_48 = %broadcast_in_dim3A_23, %parallel_loop3A_49 = %broadcast_in_dim3A_25, %parallel_loop3A_50 = %broadcast_in_dim3A_27) -> (vector<16xf32>, vector<16xf32>, vector<16xf32>, vector<16xf32>, vector<16xf32>, vector<16xf32>, vector<16xf32>, vector<16xf32>)  : i32 {
      %parallel_loop3A_51 = arith.constant 16 : i32
      %parallel_loop3A_52 = arith.muli %parallel_loop3A_42, %parallel_loop3A_51 : i32
      %parallel_loop3A_53 = arith.index_cast %parallel_loop3A_52 : i32 to index
      %parallel_loop3A_54 = tpu.vector_load %arg6[%parallel_loop3A_53] {strides = array<i32>} : memref<2048xf32, #tpu.memory_space<vmem>>, vector<16xf32>,
      %parallel_loop3A_55 = arith.constant 8 : i32
      %parallel_loop3A_56 = arith.muli %parallel_loop3A_42, %parallel_loop3A_55 : i32
      %parallel_loop3A_57 = vector.broadcast %parallel_loop3A_56 : i32 to vector<16xi32>
      %parallel_loop3A_58 = arith.addi %parallel_loop3A_57, %shift_right_logical3A_10 : vector<16xi32>
      %parallel_loop3A_59 = tpu.vector_load_idx %arg7[%parallel_loop3A_58] : memref<1024xi32, #tpu.memory_space<vmem>>[vector<16xi32>], vector<16xi32>,
      %parallel_loop3A_60 = arith.constant 2 : i32
      %parallel_loop3A_61 = vector.broadcast %parallel_loop3A_60 : i32 to vector<16xi32>
      %parallel_loop3A_62 = arith.muli %parallel_loop3A_59, %parallel_loop3A_61 : vector<16xi32>
      %parallel_loop3A_63 = arith.addi %parallel_loop3A_62, %and3A_12 : vector<16xi32>
      %parallel_loop3A_64 = tpu.vector_load_idx %arg8[%parallel_loop3A_63] : memref<20xf32, #tpu.memory_space<vmem>>[vector<16xi32>], vector<16xf32>,
      %parallel_loop3A_65 = arith.subf %parallel_loop3A_54, %parallel_loop3A_64 : vector<16xf32>
      %parallel_loop3A_66 = arith.mulf %parallel_loop3A_65, %parallel_loop3A_65 : vector<16xf32>
      %parallel_loop3A_67 = arith.addf %parallel_loop3A_43, %parallel_loop3A_66 : vector<16xf32>
      scf.yield %parallel_loop3A_44, %parallel_loop3A_45, %parallel_loop3A_46, %parallel_loop3A_47, %parallel_loop3A_48, %parallel_loop3A_49, %parallel_loop3A_50, %parallel_loop3A_67 : vector<16xf32>, vector<16xf32>, vector<16xf32>, vector<16xf32>, vector<16xf32>, vector<16xf32>, vector<16xf32>, vector<16xf32>
    } {sc.loop_unroll_factor = 8 : i64, sc.parallel_access}
    %add3A = arith.addf %parallel_loop3A_30#0, %parallel_loop3A_30#1 : vector<16xf32>
    %add3A_31 = arith.addf %add3A, %parallel_loop3A_30#2 : vector<16xf32>
    %add3A_32 = arith.addf %add3A_31, %parallel_loop3A_30#3 : vector<16xf32>
    %add3A_33 = arith.addf %add3A_32, %parallel_loop3A_30#4 : vector<16xf32>
    %add3A_34 = arith.addf %add3A_33, %parallel_loop3A_30#5 : vector<16xf32>
    %add3A_35 = arith.addf %add3A_34, %parallel_loop3A_30#6 : vector<16xf32>
    %add3A_36 = arith.addf %add3A_35, %parallel_loop3A_30#7 : vector<16xf32>
    %swap3A = arith.constant 0 : index
    %swap3A_37 = tpu.vector_load %arg9[%swap3A] {strides = array<i32>} : memref<16xf32, #tpu.memory_space<vmem>>, vector<16xf32>,
    tpu.vector_store %arg9[%swap3A], %add3A_36 {strides = array<i32>} : memref<16xf32, #tpu.memory_space<vmem>>, vector<16xf32>,
    %mul3A_38 = arith.constant 16 : i32
    %mul3A_39 = arith.muli %arg1, %mul3A_38 : i32
    "tpu.region"() ({
      %run_scoped3A = tpu.sem_alloc : memref<!tpu.dma_semaphore, #tpu.memory_space<semaphore_mem>>
      %dma_start3A_42 = tpu.memref_slice %arg10[%mul3A_39] : memref<256xf32, #tpu.memory_space<vmem_shared>> -> memref<16xf32, #tpu.memory_space<vmem_shared>>
      %dma_start3A_43 = tpu.memref_slice %arg10[%mul3A_39] : memref<256xf32, #tpu.memory_space<vmem_shared>> -> memref<16xf32, #tpu.memory_space<vmem_shared>>
      tpu.enqueue_dma source(%arg9 : memref<16xf32, #tpu.memory_space<vmem>>) target(%dma_start3A_43 : memref<16xf32, #tpu.memory_space<vmem_shared>>) target_semaphore(%run_scoped3A : memref<!tpu.dma_semaphore, #tpu.memory_space<semaphore_mem>>)
      %dma_wait3A_44 = tpu.memref_slice %arg10[%mul3A_39] : memref<256xf32, #tpu.memory_space<vmem_shared>> -> memref<16xf32, #tpu.memory_space<vmem_shared>>
      %dma_wait3A_45 = tpu.memref_slice %arg10[%mul3A_39] : memref<256xf32, #tpu.memory_space<vmem_shared>> -> memref<16xf32, #tpu.memory_space<vmem_shared>>
      tpu.wait_dma2 semaphore(%run_scoped3A : memref<!tpu.dma_semaphore, #tpu.memory_space<semaphore_mem>>) src(%arg9 : memref<16xf32, #tpu.memory_space<vmem>>) dst(%dma_wait3A_45 : memref<16xf32, #tpu.memory_space<vmem_shared>>)
      tpu.yield
    }) : () -> ()
    %barrier3A = arith.constant 0 : index
    tpu.barrier barrier_id(%barrier3A)
    %eq3A = arith.constant 0 : i32
    %eq3A_40 = arith.cmpi eq, %arg1, %eq3A : i32
    %convert_element_type3A = arith.extui %eq3A_40 : i1 to i32
    %cond3A = arith.constant 0 : i32
    %cond3A_41 = arith.cmpi ne, %convert_element_type3A, %cond3A : i32
    scf.if %cond3A_41 {
      "tpu.region"() ({
        %run_scoped3A = tpu.sem_alloc : memref<!tpu.dma_semaphore, #tpu.memory_space<semaphore_mem>>
        tpu.enqueue_dma source(%arg10 : memref<256xf32, #tpu.memory_space<vmem_shared>>) target(%arg11 : memref<256xf32, #tpu.memory_space<vmem>>) target_semaphore(%run_scoped3A : memref<!tpu.dma_semaphore, #tpu.memory_space<semaphore_mem>>)
        tpu.wait_dma2 semaphore(%run_scoped3A : memref<!tpu.dma_semaphore, #tpu.memory_space<semaphore_mem>>) src(%arg10 : memref<256xf32, #tpu.memory_space<vmem_shared>>) dst(%arg11 : memref<256xf32, #tpu.memory_space<vmem>>)
        tpu.yield
      }) : () -> ()
      %broadcast_in_dim3A_42 = arith.constant 0.000000e+00 : f32
      %broadcast_in_dim3A_43 = vector.broadcast %broadcast_in_dim3A_42 : f32 to vector<16xf32>
      %get3A = arith.constant 0 : index
      %get3A_44 = tpu.vector_load %arg11[%get3A] {strides = array<i32>} : memref<256xf32, #tpu.memory_space<vmem>>, vector<16xf32>,
      %add3A_45 = arith.addf %broadcast_in_dim3A_43, %get3A_44 : vector<16xf32>
      %get3A_46 = arith.constant 16 : index
      %get3A_47 = tpu.vector_load %arg11[%get3A_46] {strides = array<i32>} : memref<256xf32, #tpu.memory_space<vmem>>, vector<16xf32>,
      %add3A_48 = arith.addf %add3A_45, %get3A_47 : vector<16xf32>
      %get3A_49 = arith.constant 32 : index
      %get3A_50 = tpu.vector_load %arg11[%get3A_49] {strides = array<i32>} : memref<256xf32, #tpu.memory_space<vmem>>, vector<16xf32>,
      %add3A_51 = arith.addf %add3A_48, %get3A_50 : vector<16xf32>
      %get3A_52 = arith.constant 48 : index
      %get3A_53 = tpu.vector_load %arg11[%get3A_52] {strides = array<i32>} : memref<256xf32, #tpu.memory_space<vmem>>, vector<16xf32>,
      %add3A_54 = arith.addf %add3A_51, %get3A_53 : vector<16xf32>
      %get3A_55 = arith.constant 64 : index
      %get3A_56 = tpu.vector_load %arg11[%get3A_55] {strides = array<i32>} : memref<256xf32, #tpu.memory_space<vmem>>, vector<16xf32>,
      %add3A_57 = arith.addf %add3A_54, %get3A_56 : vector<16xf32>
      %get3A_58 = arith.constant 80 : index
      %get3A_59 = tpu.vector_load %arg11[%get3A_58] {strides = array<i32>} : memref<256xf32, #tpu.memory_space<vmem>>, vector<16xf32>,
      %add3A_60 = arith.addf %add3A_57, %get3A_59 : vector<16xf32>
      %get3A_61 = arith.constant 96 : index
      %get3A_62 = tpu.vector_load %arg11[%get3A_61] {strides = array<i32>} : memref<256xf32, #tpu.memory_space<vmem>>, vector<16xf32>,
      %add3A_63 = arith.addf %add3A_60, %get3A_62 : vector<16xf32>
      %get3A_64 = arith.constant 112 : index
      %get3A_65 = tpu.vector_load %arg11[%get3A_64] {strides = array<i32>} : memref<256xf32, #tpu.memory_space<vmem>>, vector<16xf32>,
      %add3A_66 = arith.addf %add3A_63, %get3A_65 : vector<16xf32>
      %get3A_67 = arith.constant 128 : index
      %get3A_68 = tpu.vector_load %arg11[%get3A_67] {strides = array<i32>} : memref<256xf32, #tpu.memory_space<vmem>>, vector<16xf32>,
      %add3A_69 = arith.addf %add3A_66, %get3A_68 : vector<16xf32>
      %get3A_70 = arith.constant 144 : index
      %get3A_71 = tpu.vector_load %arg11[%get3A_70] {strides = array<i32>} : memref<256xf32, #tpu.memory_space<vmem>>, vector<16xf32>,
      %add3A_72 = arith.addf %add3A_69, %get3A_71 : vector<16xf32>
      %get3A_73 = arith.constant 160 : index
      %get3A_74 = tpu.vector_load %arg11[%get3A_73] {strides = array<i32>} : memref<256xf32, #tpu.memory_space<vmem>>, vector<16xf32>,
      %add3A_75 = arith.addf %add3A_72, %get3A_74 : vector<16xf32>
      %get3A_76 = arith.constant 176 : index
      %get3A_77 = tpu.vector_load %arg11[%get3A_76] {strides = array<i32>} : memref<256xf32, #tpu.memory_space<vmem>>, vector<16xf32>,
      %add3A_78 = arith.addf %add3A_75, %get3A_77 : vector<16xf32>
      %get3A_79 = arith.constant 192 : index
      %get3A_80 = tpu.vector_load %arg11[%get3A_79] {strides = array<i32>} : memref<256xf32, #tpu.memory_space<vmem>>, vector<16xf32>,
      %add3A_81 = arith.addf %add3A_78, %get3A_80 : vector<16xf32>
      %get3A_82 = arith.constant 208 : index
      %get3A_83 = tpu.vector_load %arg11[%get3A_82] {strides = array<i32>} : memref<256xf32, #tpu.memory_space<vmem>>, vector<16xf32>,
      %add3A_84 = arith.addf %add3A_81, %get3A_83 : vector<16xf32>
      %get3A_85 = arith.constant 224 : index
      %get3A_86 = tpu.vector_load %arg11[%get3A_85] {strides = array<i32>} : memref<256xf32, #tpu.memory_space<vmem>>, vector<16xf32>,
      %add3A_87 = arith.addf %add3A_84, %get3A_86 : vector<16xf32>
      %get3A_88 = arith.constant 240 : index
      %get3A_89 = tpu.vector_load %arg11[%get3A_88] {strides = array<i32>} : memref<256xf32, #tpu.memory_space<vmem>>, vector<16xf32>,
      %add3A_90 = arith.addf %add3A_87, %get3A_89 : vector<16xf32>
      %reduce_sum3A = arith.constant true
      %reduce_sum3A_91 = vector.broadcast %reduce_sum3A : i1 to vector<16xi1>
      %reduce_sum3A_92 = tpu.scan <sum>, %add3A_90 masked %reduce_sum3A_91 : vector<16xf32>, vector<16xi1> -> vector<16xf32>
      %reduce_sum3A_93 = vector.extract %reduce_sum3A_92[15] : f32 from vector<16xf32>
      %mul3A_94 = arith.constant 6.10351563E-5 : f32
      %mul3A_95 = arith.mulf %reduce_sum3A_93, %mul3A_94 : f32
      %broadcast_in_dim3A_96 = vector.broadcast %mul3A_95 : f32 to vector<16xf32>
      %swap3A_97 = arith.constant 0 : index
      %swap3A_98 = tpu.vector_load %arg12[%swap3A_97] {strides = array<i32>} : memref<16xf32, #tpu.memory_space<vmem>>, vector<16xf32>,
      tpu.vector_store %arg12[%swap3A_97], %broadcast_in_dim3A_96 {strides = array<i32>} : memref<16xf32, #tpu.memory_space<vmem>>, vector<16xf32>,
      "tpu.region"() ({
        %run_scoped3A = tpu.sem_alloc : memref<!tpu.dma_semaphore, #tpu.memory_space<semaphore_mem>>
        %dma_start3A_99 = arith.constant 0 : i32
        %dma_start3A_100 = tpu.memref_slice %arg12[%dma_start3A_99] : memref<16xf32, #tpu.memory_space<vmem>> -> memref<1xf32, #tpu.memory_space<vmem>>
        %dma_start3A_101 = arith.constant 0 : i32
        %dma_start3A_102 = tpu.memref_slice %arg12[%dma_start3A_101] : memref<16xf32, #tpu.memory_space<vmem>> -> memref<1xf32, #tpu.memory_space<vmem>>
        tpu.enqueue_dma source(%dma_start3A_102 : memref<1xf32, #tpu.memory_space<vmem>>) target(%arg5 : memref<1xf32, #tpu.memory_space<hbm>>) target_semaphore(%run_scoped3A : memref<!tpu.dma_semaphore, #tpu.memory_space<semaphore_mem>>)
        %dma_wait3A_103 = arith.constant 0 : i32
        %dma_wait3A_104 = tpu.memref_slice %arg12[%dma_wait3A_103] : memref<16xf32, #tpu.memory_space<vmem>> -> memref<1xf32, #tpu.memory_space<vmem>>
        %dma_wait3A_105 = arith.constant 0 : i32
        %dma_wait3A_106 = tpu.memref_slice %arg12[%dma_wait3A_105] : memref<16xf32, #tpu.memory_space<vmem>> -> memref<1xf32, #tpu.memory_space<vmem>>
        tpu.wait_dma2 semaphore(%run_scoped3A : memref<!tpu.dma_semaphore, #tpu.memory_space<semaphore_mem>>) src(%dma_wait3A_106 : memref<1xf32, #tpu.memory_space<vmem>>) dst(%arg5 : memref<1xf32, #tpu.memory_space<hbm>>)
        tpu.yield
      }) : () -> ()
    } else {
    }
    return
  }
}

</mosaic_0001>

<sc_bundles>
// kernel: _center_loss.3.cloned.1.call-start
scs
__scs_entry_jumppad:
0x0: {  	(pc) =	sbr.rel $0x88, $3  }
0x1: {  	(tag) =	ssettag $0x0;
	lr =	simm.s32 $0x1  }
0x2: {  	[smem:$0x3F9E] =	sst lr;
	_ =	strace $0xD0000000  }
0x3: {  	_ = 	snop  }
0x4: {  	_ = 	snop  }
0x5: {  	_ = 	snop  }
0x6: {  	_ = 	snop  }
0x7: {  	_ = 	snop  }
__scs_overlays_trampoline_lowered:
0x8: {  	[smem:$0x3FAD] =	sst s0  }
0x9: {  	[smem:$0x3FAE] =	sst s1  }
0xa: {  	[smem:$0x3FAF] =	sst s2  }
0xb: {  	[smem:$0x3FB0] =	sst s3  }
0xc: {  	[smem:$0x3FB1] =	sst s4  }
0xd: {  	[smem:$0x3FB2] =	sst s5  }
0xe: {  	[smem:$0x3FB3] =	sst s6  }
0xf: {  	[smem:$0x3FB4] =	sst s7  }
0x10: {  	[smem:$0x3FB5] =	sst s8  }
0x11: {  	[smem:$0x3FB6] =	sst s9;
	s0 =	simm.s32 @!p0 $0x0  }
0x12: {  	s1 =	sld [smem:$0x3F9C];
	s0 =	simm.s32 @p0 $0x1  }
0x13: {  	[smem:$0x3FB7] =	sst s0;
	s0 =	simm.s32 @!p1 $0x0  }
0x14: {  	s2 =	sld [smem:$0x3F9B];
	s0 =	simm.s32 @p1 $0x1  }
0x15: {  	[smem:$0x3FB8] =	sst s0;
	s0 =	simm.s32 @!p2 $0x0  }
0x16: {  	s3 =	sld [smem:$0x3FDB];
	s0 =	simm.s32 @p2 $0x1  }
0x17: {  	s4 =	simm.s32 $0x1BF5;
	[smem:$0x3FBA] =	sst s0  }
0x18: {  	s0 =	sld [smem:$0x3F9D];
	_ =	swait.ge [sflag:s4], $0x0  }
0x19: {  	s7 =	sld [smem:$0x3F9E]  }
0x1a: {  	s8 =	sadd.s32 $0xFFFFE003, lr  }
0x1b: {  	s9 =	sadd.s32 $0xFFFFFEF7, lr;
	s5 =	simm.s32 $0xFFFFFFFF;
	p2 =	slt.u32 s8, $0xFFFFF086  }
0x1c: {  	p1 =	slt.u32 s9, $0xF7A;
	s5 =	simm.s32 @!p2 $0x0  }
0x1d: {  	s5 =	simm.s32 @p1 $0x1;
	p0 =	seq.s32 s7, s2  }
0x1e: {  	s7 =	smul.u32 @!p0 $0xF7A, s2;
	p2 =	seq.s32 @!p0 s5, $0x0  }
0x1f: {  	s9 =	smul.u32 $0xF7A, s1;
	s8 =	simm.s32 @!p0 $0x1BF5;
	p2 =	por !p2, p0  }
0x20: {  	[sflag:s8] =	ssyncset.s32 @!p0 $0xFFFFF086;
	s6 =	sadd.s32 @!p0 s3, s7;
	s7 =	simm.s32 @!p0 $0x108  }
0x21: {  	s3 =	sadd.s32 s3, s9;
	s6 =	sadd.s32 @!p0 $0x88, s6;
	s7 =	simm.s32 @p2 $0x1082  }
0x22: {  	[simem:s7], [sflag:s8] =	dma.local @!p0 [hbm:s6], $0xF7A  }
0x23: {  	s9 =	sor.u32 $0xD0000000, s2;
	s6 =	simm.s32 $0x108;
	_ =	swait.ge @!p0 [sflag:s8], $0x0  }
0x24: {  	s3 =	sadd.s32 $0x88, s3;
	s6 =	simm.s32 @!p1 $0x1082;
	[sflag:s4] =	ssyncset.s32 $0xFFFFF086  }
0x25: {  	[simem:s6], [sflag:s4] =	dma.local [hbm:s3], $0xF7A  }
0x26: {  	[smem:$0x3F9E] =	sst s1;
	(tag) =	ssettag s2;
	_ =	strace s9  }
0x27: {  	s1 =	sld [smem:$0x3FAE]  }
0x28: {  	s2 =	sld [smem:$0x3FAF]  }
0x29: {  	s4 =	sld [smem:$0x3FB1]  }
0x2a: {  	p0 =	seq.s32 s5, $0x0;
	s5 =	sld [smem:$0x3FB2]  }
0x2b: {  	s6 =	sld [smem:$0x3FB3]  }
0x2c: {  	s7 =	sld [smem:$0x3FB4]  }
0x2d: {  	s3 =	simm.s32 $0x108;
	s8 =	sld [smem:$0x3FB5]  }
0x2e: {  	s3 =	simm.s32 @!p0 $0x1082;
	s9 =	sld [smem:$0x3FB6]  }
0x2f: {  	lr =	sadd.s32 s0, s3;
	s0 =	sld [smem:$0x3FAD]  }
0x30: {  	s3 =	sld [smem:$0x3FB0]  }
0x31: {  	[smem:$0x3FB9] =	sst s10  }
0x32: {  	s10 =	sld [smem:$0x3FB7];
	_ =	sdelay $0x3  }
0x33: {  	p0 =	seq.s32 s10, $0x1;
	s10 =	sld [smem:$0x3FB9];
	_ =	sdelay $0x3  }
0x34: {  	[smem:$0x3FB9] =	sst s10  }
0x35: {  	s10 =	sld [smem:$0x3FB8];
	_ =	sdelay $0x3  }
0x36: {  	p1 =	seq.s32 s10, $0x1;
	s10 =	sld [smem:$0x3FB9];
	_ =	sdelay $0x3  }
0x37: {  	[smem:$0x3FB9] =	sst s10  }
0x38: {  	s10 =	sld [smem:$0x3FBA]  }
0x39: {  	_ = 	snop;
	(pc) =	sbr.ind lr, $3  }
0x3a: {  	_ = 	snop  }
0x3b: {  	_ = 	snop  }
0x3c: {  	p2 =	seq.s32 s10, $0x1;
	s10 =	sld [smem:$0x3FB9]  }
0x3d: {  	_ =	shalt  }
0x3e: {  	_ =	shalt  }
0x3f: {  	_ =	shalt  }
0x40: {  	_ =	shalt  }
0x41: {  	_ =	shalt  }
0x42: {  	_ =	shalt  }
0x43: {  	_ =	shalt  }
0x44: {  	_ =	shalt  }
0x45: {  	_ =	shalt  }
0x46: {  	_ =	shalt  }
0x47: {  	_ =	shalt  }
0x48: {  	_ =	shalt  }
0x49: {  	_ =	shalt  }
0x4a: {  	_ =	shalt  }
0x4b: {  	_ =	shalt  }
0x4c: {  	_ =	shalt  }
0x4d: {  	_ =	shalt  }
0x4e: {  	_ =	shalt  }
0x4f: {  	_ =	shalt  }
0x50: {  	_ =	shalt  }
0x51: {  	_ =	shalt  }
0x52: {  	_ =	shalt  }
0x53: {  	_ =	shalt  }
0x54: {  	_ =	shalt  }
0x55: {  	_ =	shalt  }
0x56: {  	_ =	shalt  }
0x57: {  	_ =	shalt  }
0x58: {  	_ =	shalt  }
0x59: {  	_ =	shalt  }
0x5a: {  	_ =	shalt  }
0x5b: {  	_ =	shalt  }
0x5c: {  	_ =	shalt  }
0x5d: {  	_ =	shalt  }
0x5e: {  	_ =	shalt  }
0x5f: {  	_ =	shalt  }
0x60: {  	_ =	shalt  }
0x61: {  	_ =	shalt  }
0x62: {  	_ =	shalt  }
0x63: {  	_ =	shalt  }
0x64: {  	_ =	shalt  }
0x65: {  	_ =	shalt  }
0x66: {  	_ =	shalt  }
0x67: {  	_ =	shalt  }
0x68: {  	_ =	shalt  }
0x69: {  	_ =	shalt  }
0x6a: {  	_ =	shalt  }
0x6b: {  	_ =	shalt  }
0x6c: {  	_ =	shalt  }
0x6d: {  	_ =	shalt  }
0x6e: {  	_ =	shalt  }
0x6f: {  	_ =	shalt  }
0x70: {  	_ =	shalt  }
0x71: {  	_ =	shalt  }
0x72: {  	_ =	shalt  }
0x73: {  	_ =	shalt  }
0x74: {  	_ =	shalt  }
0x75: {  	_ =	shalt  }
0x76: {  	_ =	shalt  }
0x77: {  	_ =	shalt  }
0x78: {  	_ =	shalt  }
0x79: {  	_ =	shalt  }
0x7a: {  	_ =	shalt  }
0x7b: {  	_ =	shalt  }
0x7c: {  	_ =	shalt  }
0x7d: {  	_ =	shalt  }
0x7e: {  	_ =	shalt  }
0x7f: {  	_ =	shalt  }
0x80: {  	_ =	shalt  }
0x81: {  	_ =	shalt  }
0x82: {  	_ =	shalt  }
0x83: {  	_ =	shalt  }
0x84: {  	_ =	shalt  }
0x85: {  	_ =	shalt  }
0x86: {  	_ =	shalt  }
0x87: {  	_ =	shalt  }
.Lfunc_end0:
.L_simem_size_0:
called_computation_lowered:
.L_overlay_start_0:
0x88: {  	s0 =	sld [smem:$0x3FD9]  }
0x89: {  	s1 =	sld [smem:$0x3FFE];
	_ =	sdelay $0x3  }
0x8a: {  	s0 =	sadd.s32 s1, s0  }
0x8b: {  	[smem:$0x3FC5] =	sst s0  }
0x8c: {  	_ = 	snop  }
0x8d: {  	s0 =	sld [smem:$0x3FC9]  }
0x8e: {  	s17 =	sld [smem:$0x3FC8]  }
0x8f: {  	s2 =	sld [smem:$0x3FC7]  }
0x90: {  	s3 =	sld [smem:$0x3FD0];
	(tm) =	ssettm $0x1  }
0x91: {  	s4 =	sld [smem:$0x3FFB];
	_ =	sdelay $0x3  }
0x92: {  	_ =	strace s4  }
0x93: {  	s4 =	sld [smem:$0x3FFC];
	_ =	sdelay $0x3  }
0x94: {  	_ =	strace s4  }
0x95: {  	s4 =	sld [smem:$0x3FFD];
	_ =	sdelay $0x3  }
0x96: {  	_ =	strace s4  }
0x97: {  	_ =	strace $0x8FFFFFFF  }
0x98: {  	s18 =	sld [smem:$0x3FDB];
	_ =	sdelay $0x1  }
0x99: {  	s5 =	simm.s32 $_scs_section_size  }
0x9a: {  	s6 =	simm.s32 $_size__tile_overlayer_lowered;
	s7 =	simm.s32 $_tile_overlayer_lowered  }
0x9b: {  	s21 =	simm.s32 $0x1BFF;
	s20 =	sshll.u32 s7, $0x1;
	s4 =	sadd.s32 s5, s18  }
0x9c: {  	s8 =	simm.s32 $0x0;
	s19 =	sshll.u32 s6, $0x1;
	s6 =	sadd.s32 s20, s4  }
0x9d: {  	[timem:s8], [sflag:s21] =	dma.local [hbm:s6], s19  }
0x9e: {  	_ =	swait.ge [sflag:s21], s19  }
0x9f: {  	s5 =	ssub.s32 $0x0, s19;
	[sflag:s21] =	ssyncset.done $0x0  }
0xa0: {  	[sflag:s21] =	ssyncadd.s32 s5;
	_ =	sdelay $0x1  }
0xa1: {  	s22 =	simm.s32 $0x1B8B  }
0xa2: {  	_ =	swait.ge [sflag:s22], $0x1  }
0xa3: {  	[sflag:s22] =	ssyncset.done $0x0  }
0xa4: {  	s23 =	simm.s32 $0x1B8E;
	[sflag:s22] =	ssyncadd.s32 $0xFFFFFFFF  }
0xa5: {  	s24 =	simm.s32 $execute0_lowered;
	[smem:$0x3FD2] =	sst s23  }
0xa6: {  	s5 =	sshll.u32 s24, $0x1;
	_ =	strace $0x80000046;
	[dreg:$0x1] =	wrdreg $0xFFFFFFFF  }
0xa7: {  	s25 =	simm.s32 $_size_execute0_lowered;
	s4 =	sadd.s32 s4, s5;
	[dreg:$0x0] =	wrdreg $0x0  }
0xa8: {  	s5 =	sshll.u32 s25, $0x1;
	[dreg:$0x2] =	wrdreg s4  }
0xa9: {  	[dreg:$0x3] =	wrdreg s5  }
0xaa: {  	[dreg:$0x4] =	wrdreg $0xC0  }
0xab: {  	_ =	task [dreg:s8], $0x5FFFF  }
0xac: {  	[dreg:$0x1] =	wrdreg $0xFFFFFFFF  }
0xad: {  	[dreg:$0x0] =	wrdreg $0x60  }
0xae: {  	[dreg:$0x2] =	wrdreg s0  }
0xaf: {  	[dreg:$0x3] =	wrdreg s17  }
0xb0: {  	[dreg:$0x4] =	wrdreg s2  }
0xb1: {  	[dreg:$0x5] =	wrdreg s3  }
0xb2: {  	[dreg:$0x6] =	wrdreg $0xD000  }
0xb3: {  	[dreg:$0x7] =	wrdreg $0x9  }
0xb4: {  	_ =	task.clear_ibuf [dreg:s8], $0x8FFFF;
	_ =	strace $0x90000046  }
0xb5: {  	s26 =	simm.s32 $0x9;
	_ =	strace $0x80000048  }
0xb6: {  	_ =	swait.ge [sflag:s26], $0x1  }
0xb7: {  	[sflag:s26] =	ssyncadd.s32 $0xFFFFFFFF  }
0xb8: {  	_ =	strace $0x90000048  }
0xb9: {  	_ =	sfence  }
0xba: {  	s28 =	sld [smem:$0x0];
	_ =	sdelay $0x1  }
0xbb: {  	s29 =	srdreg.scid  }
0xbc: {  	s30 =	sshll.u32 s29, $0xD;
	s31 =	sshrl.u32 s29, $0x2  }
0xbd: {  	s1 =	sand.u32 $0x1, s29;
	s2 =	sand.u32 $0x4000, s30;
	s0 =	sadd.s32 s31, s28  }
0xbe: {  	s1 =	sor.u32 s2, s1;
	s0 =	sshll.u32 s0, $0x11  }
0xbf: {  	s0 =	sor.u32 s0, s1  }
0xc0: {  	s0 =	sadd.s32 $0x8F2B, s0  }
0xc1: {  	[sflag:s0] =	ssyncadd.remote.s32 $0x1  }
0xc2: {  	_ =	sfence.sel $0xFFFF  }
0xc3: {  	[dreg:$0x0] =	wrdreg $0xFFFFFFFF;
	(pc) =	sbr.abs _section_cstart, $3  }
0xc4: {  	[dreg:$0x1] =	wrdreg $0xFFFFFFFF  }
0xc5: {  	_ =	task.clear_ibuf [dreg:s8], $0x2FFFF;
	_ =	strace $0x9FFFFFFF  }
0xc6: {  	(tm) =	ssettm $0x7FFFFFFF  }
0xc7: {  	_ =	shalt  }
tec
execute0_lowered:
.L_overlay_start_1:
0x0: {  	(tag) =	ssettag $0x1  }
0x1: {  	s4 =	rddreg [dreg:$0x0]  }
0x2: {  	s5 =	rddreg [dreg:$0x1]  }
0x3: {  	s6 =	rddreg [dreg:$0x2]  }
0x4: {  	s1 =	rddreg [dreg:$0x3]  }
0x5: {  	s2 =	rddreg [dreg:$0x4]  }
0x6: {  	s0 =	rddreg [dreg:$0x5];
	s7 =	simm.s32 $0x0;
	s3 =	stileid.u32  }
0x7: {  	[smem:$0x7FF] =	sst s7;
	s8 =	sshll.u32 s3, $0x8  }
0x8: {  	s11 =	sshll.u32 s3, $0x7;
	_ =	strace $0x80000047;
	s4 =	sadd.s32 s4, s8  }
0x9: {  	[tilespmem:s7], [sflag:$0x1] =	stream.linear.gather [hbm4b:s4+s7], $0x800, $0x38;
	[tilespmem:$0xE90] =	vst v63  }
0xa: {  	s12 =	sadd.s32 s5, s11;
	s5 =	simm.s32 $0x800  }
0xb: {  	[tilespmem:s5], [sflag:$0x1] =	stream.linear.gather [hbm4b:s12+s7], $0x400, $0x38;
	[tilespmem:$0xE90] =	vst v63  }
0xc: {  	s13 =	simm.s32 $0x1;
	s4 =	simm.s32 $0xC00  }
0xd: {  	[tilespmem:s4], [sflag:$0x1] =	stream.linear.gather [hbm4b:s6+s7], $0x80, $0x38;
	[tilespmem:$0xE90] =	vst v63  }
0xe: {  	_ =	swait.ge [sflag:s13], $0x800  }
0xf: {  	[sflag:s13] =	ssyncset.done $0x0  }
0x10: {  	v1 =	vlaneseq.u32;
	[sflag:s13] =	ssyncadd.s32 $0xFFFFF800  }
0x11: {  	s14 =	simm.s32 $0x38;
	v0 =	vshrl.u32 v1, $0x1;
	_ =	swait.ge [sflag:s13], $0x400  }
0x12: {  	s15 =	simm.s32 $0x30;
	v2 =	vor.u32 s14, v0;
	[sflag:s13] =	ssyncset.done $0x0  }
0x13: {  	s16 =	simm.s32 $0x0;
	v3 =	vor.u32 s15, v0;
	[sflag:s13] =	ssyncadd.s32 $0xFFFFFC00  }
0x14: {  	s17 =	simm.s32 $0x8;
	v4 =	vor.u32 s16, v0;
	_ =	swait.ge [sflag:s13], $0x80  }
0x15: {  	s18 =	simm.s32 $0x10;
	v5 =	vor.u32 s17, v0;
	[sflag:s13] =	ssyncset.done $0x0  }
0x16: {  	s19 =	simm.s32 $0x18;
	v6 =	vor.u32 s18, v0;
	[sflag:s13] =	ssyncadd.s32 $0xFFFFFF80  }
0x17: {  	s20 =	simm.s32 $0x20;
	v7 =	vor.u32 s19, v0;
	v2 =	vld.idx.msk [tilespmem:v2+s5+$0x0], $0xffff  }
0x18: {  	s21 =	simm.s32 $0x28;
	v8 =	vor.u32 s20, v0;
	v3 =	vld.idx.msk [tilespmem:v3+s5+$0x0], $0xffff  }
0x19: {  	v9 =	vor.u32 s21, v0;
	v4 =	vld.idx.msk [tilespmem:v4+s5+$0x0], $0xffff  }
0x1a: {  	v5 =	vld.idx.msk [tilespmem:v5+s5+$0x0], $0xffff  }
0x1b: {  	v6 =	vld.idx.msk [tilespmem:v6+s5+$0x0], $0xffff  }
0x1c: {  	s24 =	simm.s32 $0x70;
	v7 =	vld.idx.msk [tilespmem:v7+s5+$0x0], $0xffff  }
0x1d: {  	v1 =	vand.u32 $0x1, v1;
	v11 =	vor.u32 s24, v0;
	v8 =	vld.idx.msk [tilespmem:v8+s5+$0x0], $0xffff;
	v2 =	vshll.u32 v2, $0x1  }
0x1e: {  	s22 =	simm.s32 $0x40;
	v9 =	vld.idx.msk [tilespmem:v9+s5+$0x0], $0xffff;
	v3 =	vshll.u32 v3, $0x1;
	v2 =	vor.u32 v1, v2  }
0x1f: {  	v13 =	vld [tilespmem:s22+$0xFFFFFFD0];
	v3 =	vor.u32 v1, v3  }
0x20: {  	v16 =	vld [tilespmem:s22+$0xFFFFFFE0];
	v4 =	vshll.u32 v4, $0x1  }
0x21: {  	v18 =	vld [tilespmem:s22+$0xFFFFFFF0];
	v5 =	vshll.u32 v5, $0x1;
	v4 =	vor.u32 v1, v4  }
0x22: {  	v11 =	vld.idx.msk [tilespmem:v11+s5+$0x0], $0xffff;
	v6 =	vshll.u32 v6, $0x1;
	v5 =	vor.u32 v1, v5  }
0x23: {  	v7 =	vshll.u32 v7, $0x1;
	v6 =	vor.u32 v1, v6;
	v10 =	vld.idx.msk [tilespmem:v2+s4+$0x0], $0xffff  }
0x24: {  	s25 =	simm.s32 $0x40;
	v2 =	vor.u32 v1, v7;
	v3 =	vld.idx.msk [tilespmem:v3+s4+$0x0], $0xffff  }
0x25: {  	s26 =	simm.s32 $0x48;
	v12 =	vor.u32 s25, v0;
	v7 =	vshll.u32 v8, $0x1;
	v8 =	vshll.u32 v9, $0x1;
	v9 =	vld [tilespmem:s22+$0x20]  }
0x26: {  	s28 =	simm.s32 $0x50;
	v15 =	vor.u32 s26, v0;
	v14 =	vld.idx.msk [tilespmem:v4+s4+$0x0], $0xffff  }
0x27: {  	s29 =	simm.s32 $0x58;
	v17 =	vor.u32 s28, v0;
	v4 =	vld.idx.msk [tilespmem:v5+s4+$0x0], $0xffff  }
0x28: {  	s23 =	simm.s32 $0x78;
	v19 =	vor.u32 s29, v0;
	v5 =	vld.idx.msk [tilespmem:v6+s4+$0x0], $0xffff  }
0x29: {  	s30 =	simm.s32 $0x60;
	v6 =	vld.idx.msk [tilespmem:v2+s4+$0x0], $0xffff;
	v2 =	vor.u32 s23, v0  }
0x2a: {  	s31 =	simm.s32 $0x68;
	v21 =	vor.u32 s30, v0;
	v12 =	vld.idx.msk [tilespmem:v12+s5+$0x0], $0xffff  }
0x2b: {  	v22 =	vor.u32 s31, v0;
	v15 =	vld.idx.msk [tilespmem:v15+s5+$0x0], $0xffff  }
0x2c: {  	v3 =	vsub.f32 v9, v3;
	v9 =	vld.idx.msk [tilespmem:v17+s5+$0x0], $0xffff  }
0x2d: {  	v17 =	vld.idx.msk [tilespmem:v19+s5+$0x0], $0xffff  }
0x2e: {  	v7 =	vor.u32 v1, v7;
	v20 =	vld.idx.msk [tilespmem:v2+s5+$0x0], $0xffff  }
0x2f: {  	v8 =	vor.u32 v1, v8;
	v19 =	vld.idx.msk [tilespmem:v21+s5+$0x0], $0xffff  }
0x30: {  	v4 =	vsub.f32 v13, v4;
	v13 =	vld.idx.msk [tilespmem:v22+s5+$0x0], $0xffff  }
0x31: {  	v12 =	vshll.u32 v12, $0x1;
	v5 =	vsub.f32 v16, v5;
	v16 =	vld [tilespmem:s22+$0x0]  }
0x32: {  	v11 =	vshll.u32 v11, $0x1;
	v21 =	vor.u32 v1, v12;
	v12 =	vshll.u32 v15, $0x1;
	v15 =	vld [tilespmem:s22+$0x30]  }
0x33: {  	v11 =	vor.u32 v1, v11;
	v7 =	vld.idx.msk [tilespmem:v7+s4+$0x0], $0xffff;
	v20 =	vshll.u32 v20, $0x1  }
0x34: {  	v8 =	vld.idx.msk [tilespmem:v8+s4+$0x0], $0xffff;
	v20 =	vor.u32 v1, v20  }
0x35: {  	v22 =	vor.u32 v1, v12;
	v3 =	vmul.f32 v3, v3;
	v6 =	vsub.f32 v18, v6;
	v18 =	vld [tilespmem:s22+$0x10]  }
0x36: {  	v4 =	vmul.f32 v4, v4;
	v5 =	vmul.f32 v5, v5;
	v2 =	vimm.f32 $0.0e+00  }
0x37: {  	v23 =	vld [tilespmem:s22+$0xFFFFFFC0];
	v9 =	vshll.u32 v9, $0x1;
	v17 =	vshll.u32 v17, $0x1;
	v10 =	vsub.f32 v15, v10  }
0x38: {  	v11 =	vld.idx.msk [tilespmem:v11+s4+$0x0], $0xffff;
	v15 =	vshll.u32 v13, $0x1;
	v9 =	vor.u32 v1, v9;
	v12 =	vmul.f32 v6, v6  }
0x39: {  	s6 =	simm.s32 $0xC0;
	v24 =	vsub.f32 v16, v7;
	v16 =	vshll.u32 v19, $0x1;
	v6 =	vld.idx.msk [tilespmem:v20+s4+$0x0], $0xffff;
	v20 =	vor.u32 v1, v17  }
0x3a: {  	v7 =	vadd.f32 v12, v2;
	v12 =	vld [tilespmem:s6+$0x20];
	v8 =	vsub.f32 v18, v8;
	v17 =	vor.u32 v1, v16  }
0x3b: {  	v3 =	vadd.f32 v3, v2;
	v13 =	vld.idx.msk [tilespmem:v22+s4+$0x0], $0xffff;
	v19 =	vor.u32 v1, v15;
	v18 =	vmul.f32 v24, v24  }
0x3c: {  	v4 =	vadd.f32 v4, v2;
	v22 =	vmul.f32 v8, v8;
	v16 =	vld.idx.msk [tilespmem:v21+s4+$0x0], $0xffff;
	v21 =	vsub.f32 v23, v14  }
0x3d: {  	v5 =	vadd.f32 v5, v2;
	v15 =	vld.idx.msk [tilespmem:v9+s4+$0x0], $0xffff;
	v8 =	vadd.f32 v18, v2;
	v18 =	vmul.f32 v10, v10  }
0x3e: {  	s8 =	simm.s32 $0xB8;
	s7 =	simm.s32 $0x8;
	v10 =	vimm.f32 $0.0e+00;
	v9 =	vadd.f32 v22, v2;
	v14 =	vld.idx.msk [tilespmem:v20+s4+$0x0], $0xffff;
	v20 =	vmul.f32 v21, v21  }
.LBB2_1:
0x3f: {  	s9 =	sadd.s32 $0xFFFFFFC8, s8;
	s10 =	sadd.s32 $0xFFFFFFF8, s8;
	v21 =	vor.u32 s8, v0;
	s7 =	sadd.s32 $0x8, s7;
	v22 =	vld.idx.msk [tilespmem:v17+s4+$0x0], $0xffff;
	v11 =	vsub.f32 v12, v11;
	v2 =	vadd.f32 v18, v2  }
0x40: {  	s11 =	sadd.s32 $0xFFFFFFD8, s8;
	v12 =	vor.u32 s9, v0;
	s9 =	sadd.s32 $0xFFFFFFD0, s8;
	v17 =	vor.u32 s10, v0;
	p0 =	slt.u32 s7, $0x78;
	v18 =	vld.idx.msk [tilespmem:v19+s4+$0x0], $0xffff;
	v10 =	vadd.f32 v20, v10  }
0x41: {  	v20 =	vor.u32 s11, v0;
	s10 =	sadd.s32 $0xFFFFFFE8, s8;
	s11 =	sadd.s32 $0xFFFFFFF0, s8;
	v24 =	vmovc v16;
	v19 =	vor.u32 s9, v0;
	s9 =	sadd.s32 $0xFFFFFFE0, s8;
	v23 =	vld [tilespmem:s6+$0xFFFFFFD0];
	v11 =	vmul.f32 v11, v11  }
0x42: {  	v25 =	vor.u32 s10, v0;
	v26 =	vor.u32 s11, v0;
	v16 =	vor.u32 s9, v0;
	v27 =	vld [tilespmem:s6+$0xFFFFFFE0]  }
0x43: {  	v28 =	vld [tilespmem:s6+$0xFFFFFFF0];
	v3 =	vadd.f32 v11, v3  }
0x44: {  	v11 =	vld.idx.msk [tilespmem:v21+s5+$0x0], $0xffff  }
0x45: {  	v17 =	vld.idx.msk [tilespmem:v17+s5+$0x0], $0xffff  }
0x46: {  	v12 =	vld.idx.msk [tilespmem:v12+s5+$0x0], $0xffff;
	v13 =	vsub.f32 v23, v13  }
0x47: {  	v19 =	vld.idx.msk [tilespmem:v19+s5+$0x0], $0xffff;
	v15 =	vsub.f32 v27, v15  }
0x48: {  	v20 =	vld.idx.msk [tilespmem:v20+s5+$0x0], $0xffff;
	v13 =	vmul.f32 v13, v13;
	v14 =	vsub.f32 v28, v14  }
0x49: {  	v16 =	vld.idx.msk [tilespmem:v16+s5+$0x0], $0xffff;
	v15 =	vmul.f32 v15, v15  }
0x4a: {  	v11 =	vshll.u32 v11, $0x1;
	v21 =	vld.idx.msk [tilespmem:v25+s5+$0x0], $0xffff;
	v4 =	vadd.f32 v13, v4;
	v13 =	vmul.f32 v14, v14  }
0x4b: {  	v17 =	vshll.u32 v17, $0x1;
	v11 =	vor.u32 v1, v11;
	v14 =	vld.idx.msk [tilespmem:v26+s5+$0x0], $0xffff;
	v5 =	vadd.f32 v15, v5  }
0x4c: {  	v12 =	vshll.u32 v12, $0x1;
	v15 =	vor.u32 v1, v17;
	v7 =	vadd.f32 v13, v7;
	v13 =	vld [tilespmem:s6+$0x0]  }
0x4d: {  	v23 =	vor.u32 v1, v12;
	v12 =	vshll.u32 v19, $0x1;
	v25 =	vld [tilespmem:s6+$0x10]  }
0x4e: {  	v26 =	vor.u32 v1, v12;
	v12 =	vshll.u32 v20, $0x1;
	v20 =	vld [tilespmem:s6+$0x30]  }
0x4f: {  	v27 =	vor.u32 v1, v12;
	v12 =	vshll.u32 v16, $0x1;
	v28 =	vld [tilespmem:s6+$0xFFFFFFC0]  }
0x50: {  	v29 =	vor.u32 v1, v12;
	v12 =	vshll.u32 v21, $0x1;
	v21 =	vld.idx.msk [tilespmem:v11+s4+$0x0], $0xffff  }
0x51: {  	s6 =	sadd.s32 $0x80, s6;
	v17 =	vor.u32 v1, v12;
	v12 =	vshll.u32 v14, $0x1;
	v11 =	vld.idx.msk [tilespmem:v15+s4+$0x0], $0xffff;
	v13 =	vsub.f32 v13, v22  }
.Ltmp0:
0x52: {  	v19 =	vor.u32 v1, v12;
	v12 =	vld [tilespmem:s6+$0x20];
	v14 =	vsub.f32 v25, v18;
	(pc) =	sbr.rel @p0 .LBB2_1-.Ltmp0, $4  }
0x53: {  	v16 =	vld.idx.msk [tilespmem:v23+s4+$0x0], $0xffff;
	v18 =	vmul.f32 v13, v13;
	v23 =	vsub.f32 v20, v6  }
0x54: {  	v13 =	vld.idx.msk [tilespmem:v26+s4+$0x0], $0xffff;
	v20 =	vsub.f32 v28, v24;
	v22 =	vmul.f32 v14, v14  }
0x55: {  	v15 =	vld.idx.msk [tilespmem:v27+s4+$0x0], $0xffff;
	v8 =	vadd.f32 v18, v8;
	v18 =	vmul.f32 v23, v23  }
0x56: {  	s8 =	sadd.s32 $0x40, s8;
	v6 =	vmov v21;
	v14 =	vld.idx.msk [tilespmem:v29+s4+$0x0], $0xffff;
	v20 =	vmul.f32 v20, v20;
	v9 =	vadd.f32 v22, v9  }
0x57: {  	v0 =	vld [tilespmem:s6+$0xFFFFFFD0]  }
0x58: {  	v1 =	vld [tilespmem:s6+$0xFFFFFFC0];
	_ =	sdelay $0x1  }
0x59: {  	v21 =	vld [tilespmem:s6+$0xFFFFFFE0]  }
0x5a: {  	v22 =	vld [tilespmem:s6+$0xFFFFFFF0]  }
0x5b: {  	v53 =	vld.idx.msk [tilespmem:v17+s4+$0x0], $0xffff  }
0x5c: {  	v54 =	vld [tilespmem:s6+$0x0];
	v0 =	vsub.f32 v0, v13;
	v1 =	vsub.f32 v1, v16  }
0x5d: {  	v55 =	vld.idx.msk [tilespmem:v19+s4+$0x0], $0xffff;
	v10 =	vadd.f32 v20, v10  }
0x5e: {  	v56 =	vld [tilespmem:s6+$0x10];
	v15 =	vsub.f32 v21, v15;
	v0 =	vmul.f32 v0, v0;
	v1 =	vmul.f32 v1, v1  }
0x5f: {  	v14 =	vsub.f32 v22, v14  }
0x60: {  	v15 =	vmul.f32 v15, v15;
	v0 =	vadd.f32 v0, v4;
	v1 =	vadd.f32 v1, v10  }
0x61: {  	v13 =	vsub.f32 v54, v53  }
0x62: {  	v58 =	vld [tilespmem:s6+$0x30];
	v57 =	vmul.f32 v14, v14;
	v5 =	vadd.f32 v15, v5;
	v0 =	vadd.f32 v0, v1  }
0x63: {  	v60 =	vsub.f32 v56, v55  }
0x64: {  	v61 =	vmul.f32 v13, v13;
	v59 =	vadd.f32 v57, v7;
	v0 =	vadd.f32 v5, v0  }
0x65: {  	v62 =	vsub.f32 v12, v11  }
0x66: {  	v4 =	vmul.f32 v60, v60;
	v7 =	vadd.f32 v61, v8;
	v0 =	vadd.f32 v59, v0  }
0x67: {  	v63 =	vsub.f32 v58, v6  }
0x68: {  	v4 =	vadd.f32 v4, v9;
	v5 =	vmul.f32 v62, v62;
	v0 =	vadd.f32 v7, v0  }
0x69: {  	v2 =	vadd.f32 v18, v2  }
0x6a: {  	v1 =	vmul.f32 v63, v63;
	v3 =	vadd.f32 v5, v3;
	v0 =	vadd.f32 v4, v0;
	_ =	sdelay $0x1  }
0x6b: {  	v1 =	vadd.f32 v1, v2;
	v0 =	vadd.f32 v3, v0;
	_ =	sdelay $0x1  }
0x6c: {  	v0 =	vadd.f32 v1, v0  }
0x6d: {  	s30 =	sshll.u32 s3, $0x4  }
0x6e: {  	s5 =	simm.s32 $0xC80;
	s31 =	simm.s32 $0x2;
	s4 =	sadd.s32 s30, s2;
	[tilespmem:$0xC80] =	vst v0  }
0x6f: {  	[spmem:s4] =	stream.linear.scatter [tilespmem:s5], [sflag:$0x2], $0x10, $0x38;
	[tilespmem:$0xE90] =	vst v63  }
0x70: {  	_ =	swait.ge [sflag:s31], $0x10  }
0x71: {  	[sflag:s31] =	ssyncset.done $0x0  }
0x72: {  	[sflag:s31] =	ssyncadd.s32 $0xFFFFFFF0  }
0x73: {  	p0 =	sne.s32 s3, $0x0;
	[bflag:$0x0] =	sbarrier.arrive $0xFFFF  }
0x74: {  	_ =	sfence.sel @p0 $0x180000  }
0x75: {  	[bflag:$0x0] =	sbarrier.arrive @p0 $0xFFFF  }
0x76: {  	_ =	strace @p0 $0x90000047  }
0x77: {  	s3 =	simm.s32 @!p0 $0xD10;
	[bflag:$0x2] =	sbarrier.arrive @p0 $0xFFFF  }
0x78: {  	[tilespmem:s3], [sflag:$0x2] =	stream.linear.gather @!p0 [spmem:s2], $0x100, $0x38;
	[tilespmem:$0xE90] =	vst v63  }
0x79: {  	s2 =	simm.s32 @!p0 $0x2  }
0x7a: {  	_ =	swait.ge @!p0 [sflag:s2], $0x100  }
0x7b: {  	[sflag:s2] =	ssyncset.done @!p0 $0x0  }
0x7c: {  	[sflag:s2] =	ssyncadd.s32 @!p0 $0xFFFFFF00  }
0x7d: {  	v0 =	vld @!p0 [tilespmem:$0xD10];
	_ =	sdelay $0x1  }
0x7e: {  	v1 =	vld @!p0 [tilespmem:$0xD20];
	_ =	sdelay $0x1  }
0x7f: {  	v2 =	vld @!p0 [tilespmem:$0xD30]  }
0x80: {  	v0 =	vadd.f32 @!p0 $0.0e+00, v0  }
0x81: {  	v3 =	vld @!p0 [tilespmem:$0xD40]  }
0x82: {  	v0 =	vadd.f32 @!p0 v1, v0  }
0x83: {  	v1 =	vld @!p0 [tilespmem:$0xD50]  }
0x84: {  	v0 =	vadd.f32 @!p0 v2, v0  }
0x85: {  	v2 =	vld @!p0 [tilespmem:$0xD60]  }
0x86: {  	v0 =	vadd.f32 @!p0 v3, v0  }
0x87: {  	v3 =	vld @!p0 [tilespmem:$0xD70]  }
0x88: {  	v0 =	vadd.f32 @!p0 v1, v0  }
0x89: {  	v1 =	vld @!p0 [tilespmem:$0xD80]  }
0x8a: {  	v0 =	vadd.f32 @!p0 v2, v0  }
0x8b: {  	v2 =	vld @!p0 [tilespmem:$0xD90]  }
0x8c: {  	v0 =	vadd.f32 @!p0 v3, v0  }
0x8d: {  	v3 =	vld @!p0 [tilespmem:$0xDA0]  }
0x8e: {  	v0 =	vadd.f32 @!p0 v1, v0  }
0x8f: {  	v1 =	vld @!p0 [tilespmem:$0xDB0]  }
0x90: {  	v0 =	vadd.f32 @!p0 v2, v0  }
0x91: {  	v2 =	vld @!p0 [tilespmem:$0xDC0]  }
0x92: {  	v0 =	vadd.f32 @!p0 v3, v0  }
0x93: {  	v3 =	vld @!p0 [tilespmem:$0xDD0]  }
0x94: {  	v0 =	vadd.f32 @!p0 v1, v0  }
0x95: {  	v1 =	vld @!p0 [tilespmem:$0xDE0]  }
0x96: {  	v0 =	vadd.f32 @!p0 v2, v0  }
0x97: {  	v2 =	vld @!p0 [tilespmem:$0xDF0]  }
0x98: {  	v0 =	vadd.f32 @!p0 v3, v0  }
0x99: {  	v3 =	vld @!p0 [tilespmem:$0xE00]  }
0x9a: {  	v0 =	vadd.f32 @!p0 v1, v0;
	_ =	sdelay $0x1  }
0x9b: {  	v0 =	vadd.f32 @!p0 v2, v0;
	_ =	sdelay $0x1  }
0x9c: {  	v0 =	vadd.f32 @!p0 v3, v0;
	_ =	sdelay $0x1  }
0x9d: {  	(xrf2) =	vadd.scan.msk.f32 @!p0 $0xffff, v0;
	_ =	sdelay $0x9  }
0x9e: {  	v0, _, _ =	vpop @!p0 (xrf2)  }
0x9f: {  	(v2sf) =	vpush @!p0 v0, $0xF;
	_ =	sdelay $0xe  }
0xa0: {  	s3 =	spop @!p0 (v2sf)  }
0xa1: {  	s3 =	smul.f32 @!p0 $6.103515630e-05, s3;
	_ =	sdelay $0x1  }
0xa2: {  	v0 =	vmov @!p0 s3  }
0xa3: {  	s4 =	simm.s32 @!p0 $0xE10;
	s3 =	simm.s32 @!p0 $0x0;
	[tilespmem:$0xE10] =	vst @!p0 v0  }
0xa4: {  	[hbm4b:s1+s3] =	stream.linear.scatter @!p0 [tilespmem:s4], [sflag:$0x2], $0x1, $0x38;
	[tilespmem:$0xE90] =	vst v63  }
0xa5: {  	_ =	swait.ge @!p0 [sflag:s2], $0x1  }
0xa6: {  	[sflag:s2] =	ssyncset.done @!p0 $0x0  }
0xa7: {  	[sflag:s2] =	ssyncadd.s32 @!p0 $0xFFFFFFFF  }
0xa8: {  	_ =	sfence.sel @!p0 $0x180000  }
0xa9: {  	[bflag:$0x0] =	sbarrier.arrive @!p0 $0xFFFF  }
0xaa: {  	_ =	strace @!p0 $0x90000047  }
0xab: {  	s0 =	sadd.s32 @!p0 $0x100000, s0;
	[bflag:$0x2] =	sbarrier.arrive @!p0 $0xFFFF  }
0xac: {  	[sflag:s0] =	ssyncadd.tile.s32 @!p0 $0x1;
	_ =	shalt  }
.Lfunc_end2:
_tile_overlayer_lowered:
.L_overlay_start_2:
0xad: {  	(tag) =	ssettag $0x2  }
0xae: {  	s0 =	rddreg [dreg:$0x0];
	s2 =	stileid.u32  }
0xaf: {  	s1 =	rddreg [dreg:$0x1];
	p0 =	sne.s32 s2, $0x0  }
0xb0: {  	s3 =	rddreg [dreg:$0x2];
	[bflag:$0x3] =	sbarrier.arrive $0xFFFF;
	s2 =	simm.s32 @!p0 $0x1C02  }
0xb1: {  	[timem:s3], [sflag:s2] =	dma.local @!p0 [hbm:s0], s1  }
0xb2: {  	s0 =	simm.s32 @!p0 $0x2  }
0xb3: {  	_ =	swait.ge @!p0 [sflag:s0], s1  }
0xb4: {  	s1 =	ssub.s32 @!p0 $0x0, s1;
	[sflag:s0] =	ssyncset.done @!p0 $0x0  }
0xb5: {  	[sflag:s0] =	ssyncadd.s32 @!p0 s1  }
0xb6: {  	[bflag:$0x3] =	sbarrier.arrive $0xFFFF  }
0xb7: {  	_ =	shalt  }

</sc_bundles>
